<compile_context>
chip_gen: v7x
topology: tpu7x:2x2x1
jax: 0.10.2.dev20260603
libtpu: 0.0.44.dev20260713+nightly
codegen_flags: <defaults>
</compile_context>

<pallas_src>
import functools

import jax
import jax.numpy as jnp
from jax import lax
from jax.experimental import pallas as pl
from jax.experimental.pallas import tpu as pltpu
from jax.experimental.pallas import tpu_sc as plsc

_INPUT_DIM = 1000000
_OUTPUT_DIM = 128
_RANK = 64
_BATCH = 16384

_NC = 2
_NS = 16
_NW = _NC * _NS
_B_PER_W = _BATCH // _NW


def _sc_gather(idx, table):
  mesh = plsc.VectorSubcoreMesh(core_axis_name="c", subcore_axis_name="s")
  k = 16

  @functools.partial(
      pl.kernel,
      out_type=jax.ShapeDtypeStruct((_BATCH, _RANK), jnp.float32),
      mesh=mesh,
      scratch_types=[
          pltpu.VMEM((_B_PER_W,), jnp.int32),
          pltpu.SemaphoreType.DMA,
      ],
  )
  def gather_kernel(idx_hbm, table_hbm, out_hbm, idx_v, sem):
    wid = lax.axis_index("s") * _NC + lax.axis_index("c")
    base = wid * _B_PER_W
    pltpu.sync_copy(idx_hbm.at[pl.ds(base, _B_PER_W)], idx_v)

    def chunk(c, carry):
      g = idx_v[pl.ds(c * k, k)]
      copies = []
      for j in range(k):
        i = c * k + j
        r = g[j]
        copies.append(
            pltpu.async_copy(
                table_hbm.at[pl.ds(r, 1)],
                out_hbm.at[pl.ds(base + i, 1)],
                sem,
            ))
      for cp in copies:
        cp.wait()
      return carry

    lax.fori_loop(0, _B_PER_W // k, chunk, 0)

  return gather_kernel(idx, table)


def _tc_matmul_sq(x, v):
  blk = 2048

  def body(x_ref, v_ref, o_ref):
    o = lax.dot_general(
        x_ref[...], v_ref[...],
        (((1,), (1,)), ((), ())),
        preferred_element_type=jnp.float32,
    )
    o_ref[...] = o * o

  return pl.pallas_call(
      body,
      grid=(_BATCH // blk,),
      in_specs=[
          pl.BlockSpec((blk, _RANK), lambda i: (i, 0)),
          pl.BlockSpec((_OUTPUT_DIM, _RANK), lambda i: (0, 0)),
      ],
      out_specs=pl.BlockSpec((blk, _OUTPUT_DIM), lambda i: (i, 0)),
      out_shape=jax.ShapeDtypeStruct((_BATCH, _OUTPUT_DIM), jnp.float32),
  )(x, v)


def kernel(state_inx, H, V):
  idx = state_inx.astype(jnp.int32)
  gathered = _sc_gather(idx, H)
  return _tc_matmul_sq(gathered, V)

# --- scband reference (transcript-rebuilt; emitter-appended) ---
"""Pipeline reference for scband-mh-policy-38628935860461 (READ-ONLY COPY).

The authoritative reference and input builder live on the scoring server;
editing this copy changes nothing except your own understanding.
"""

import jax, jax.numpy as jnp
import numpy as np

INPUT_DIM = 1000000
OUTPUT_DIM = 128
RANK = 64
BATCH = 16384

def setup_inputs(seed: int = 0) -> dict:
    key = jax.random.key(seed)
    k1, k2, k3 = jax.random.split(key, 3)
    state_inx = jax.random.randint(k1, (BATCH,), 0, INPUT_DIM)
    # H after normal_init: rows projected onto unit sphere (L2-normalized)
    H = jax.random.normal(k2, (INPUT_DIM, RANK), dtype=jnp.float32)
    H = H / jnp.linalg.norm(H, axis=1, keepdims=True)
    # V after normal_init: right singular vectors (orthonormal-ish columns); use QR for realism
    Vraw = jax.random.normal(k3, (OUTPUT_DIM, RANK), dtype=jnp.float32)
    Q, _ = jnp.linalg.qr(Vraw)
    V = Q[:, :RANK]
    return {"state_inx": state_inx, "H": H, "V": V}

def reference(state_inx, H, V):
    # MhPolicy.generate_prob: x = H[state_inx, :] @ V.T ; return x * x
    x = jnp.take(H, state_inx, axis=0) @ V.T
    return x * x

if __name__ == "__main__":
    import jax
    _d = setup_inputs()
    print(jax.jit(kernel)(*tuple(_d.values())))

</pallas_src>

<mosaic_0001>
#map = affine_map<(d0, d1) -> (0)>
#map1 = affine_map<(d0, d1) -> (0, 0)>
module attributes {stable_mosaic.version = 14 : i64} {
  func.func @gather_kernel(%arg0: i32, %arg1: i32, %arg2: memref<16384xi32, #tpu.memory_space<hbm>>, %arg3: memref<1000000x64xf32, #tpu.memory_space<hbm>>, %arg4: memref<16384x64xf32, #tpu.memory_space<hbm>>, %arg5: memref<512xi32, #tpu.memory_space<vmem>>, %arg6: memref<!tpu.dma_semaphore, #tpu.memory_space<semaphore_mem>>) attributes {dimension_semantics = [#tpu.dimension_semantics<core_parallel>, #tpu.dimension_semantics<subcore_parallel>], iteration_bounds = array<i64: 2, 16>, scalar_prefetch = 0 : i64, scratch_operands = 2 : i64, tpu.core_type = #tpu.core_type<sc_vector_subcore>, window_params = [{transform_indices = #map}, {transform_indices = #map1}, {transform_indices = #map1}]} {
    %mul3A = arith.constant 2 : i32
    %mul3A_0 = arith.muli %arg1, %mul3A : i32
    %add3A = arith.addi %mul3A_0, %arg0 : i32
    %mul3A_1 = arith.constant 512 : i32
    %mul3A_2 = arith.muli %add3A, %mul3A_1 : i32
    "tpu.region"() ({
      %run_scoped3A = tpu.sem_alloc : memref<!tpu.dma_semaphore, #tpu.memory_space<semaphore_mem>>
      %dma_start3A = tpu.memref_slice %arg2[%mul3A_2] : memref<16384xi32, #tpu.memory_space<hbm>> -> memref<512xi32, #tpu.memory_space<hbm>>
      %dma_start3A_8 = tpu.memref_slice %arg2[%mul3A_2] : memref<16384xi32, #tpu.memory_space<hbm>> -> memref<512xi32, #tpu.memory_space<hbm>>
      tpu.enqueue_dma source(%dma_start3A_8 : memref<512xi32, #tpu.memory_space<hbm>>) target(%arg5 : memref<512xi32, #tpu.memory_space<vmem>>) target_semaphore(%run_scoped3A : memref<!tpu.dma_semaphore, #tpu.memory_space<semaphore_mem>>)
      %dma_wait3A = tpu.memref_slice %arg2[%mul3A_2] : memref<16384xi32, #tpu.memory_space<hbm>> -> memref<512xi32, #tpu.memory_space<hbm>>
      %dma_wait3A_9 = tpu.memref_slice %arg2[%mul3A_2] : memref<16384xi32, #tpu.memory_space<hbm>> -> memref<512xi32, #tpu.memory_space<hbm>>
      tpu.wait_dma2 semaphore(%run_scoped3A : memref<!tpu.dma_semaphore, #tpu.memory_space<semaphore_mem>>) src(%dma_wait3A_9 : memref<512xi32, #tpu.memory_space<hbm>>) dst(%arg5 : memref<512xi32, #tpu.memory_space<vmem>>)
      tpu.yield
    }) : () -> ()
    %scan3A = arith.constant 0 : i32
    %scan3A_3 = arith.constant 0 : i32
    %scan3A_4 = arith.constant 32 : i32
    %scan3A_5 = arith.addi %scan3A_3, %scan3A_4 : i32
    %scan3A_6 = arith.constant 1 : i32
    scf.for %scan3A_8 = %scan3A_3 to %scan3A_5 step %scan3A_6  : i32 {
      %mul3A_9 = arith.constant 16 : i32
      %mul3A_10 = arith.muli %scan3A_8, %mul3A_9 : i32
      %get3A = arith.index_cast %mul3A_10 : i32 to index
      %get3A_11 = tpu.vector_load %arg5[%get3A] {strides = array<i32>} : memref<512xi32, #tpu.memory_space<vmem>>, vector<16xi32>,
      %get3A_12 = vector.shape_cast %get3A_11 : vector<16xi32> to vector<16xi32>
      %mul3A_13 = arith.constant 16 : i32
      %mul3A_14 = arith.muli %scan3A_8, %mul3A_13 : i32
      %add3A_15 = arith.constant 0 : i32
      %add3A_16 = arith.addi %mul3A_14, %add3A_15 : i32
      %slice3A = vector.extract_strided_slice %get3A_12 {offsets = [0], sizes = [1], strides = [1]} : vector<16xi32> to vector<1xi32>
      %squeeze3A = vector.extract %slice3A[0] : i32 from vector<1xi32>
      %add3A_17 = arith.addi %mul3A_2, %add3A_16 : i32
      %dma_start3A = arith.constant 0 : i32
      %dma_start3A_18 = tpu.memref_slice %arg4[%add3A_17, %dma_start3A] : memref<16384x64xf32, #tpu.memory_space<hbm>> -> memref<1x64xf32, #tpu.memory_space<hbm>>
      %dma_start3A_19 = arith.constant 0 : i32
      %dma_start3A_20 = tpu.memref_slice %arg3[%squeeze3A, %dma_start3A_19] : memref<1000000x64xf32, #tpu.memory_space<hbm>> -> memref<1x64xf32, #tpu.memory_space<hbm>>
      tpu.enqueue_dma source(%dma_start3A_20 : memref<1x64xf32, #tpu.memory_space<hbm>>) target(%dma_start3A_18 : memref<1x64xf32, #tpu.memory_space<hbm>>) target_semaphore(%arg6 : memref<!tpu.dma_semaphore, #tpu.memory_space<semaphore_mem>>)
      %mul3A_21 = arith.constant 16 : i32
      %mul3A_22 = arith.muli %scan3A_8, %mul3A_21 : i32
      %add3A_23 = arith.constant 1 : i32
      %add3A_24 = arith.addi %mul3A_22, %add3A_23 : i32
      %slice3A_25 = vector.extract_strided_slice %get3A_12 {offsets = [1], sizes = [1], strides = [1]} : vector<16xi32> to vector<1xi32>
      %squeeze3A_26 = vector.extract %slice3A_25[0] : i32 from vector<1xi32>
      %add3A_27 = arith.addi %mul3A_2, %add3A_24 : i32
      %dma_start3A_28 = arith.constant 0 : i32
      %dma_start3A_29 = tpu.memref_slice %arg4[%add3A_27, %dma_start3A_28] : memref<16384x64xf32, #tpu.memory_space<hbm>> -> memref<1x64xf32, #tpu.memory_space<hbm>>
      %dma_start3A_30 = arith.constant 0 : i32
      %dma_start3A_31 = tpu.memref_slice %arg3[%squeeze3A_26, %dma_start3A_30] : memref<1000000x64xf32, #tpu.memory_space<hbm>> -> memref<1x64xf32, #tpu.memory_space<hbm>>
      tpu.enqueue_dma source(%dma_start3A_31 : memref<1x64xf32, #tpu.memory_space<hbm>>) target(%dma_start3A_29 : memref<1x64xf32, #tpu.memory_space<hbm>>) target_semaphore(%arg6 : memref<!tpu.dma_semaphore, #tpu.memory_space<semaphore_mem>>)
      %mul3A_32 = arith.constant 16 : i32
      %mul3A_33 = arith.muli %scan3A_8, %mul3A_32 : i32
      %add3A_34 = arith.constant 2 : i32
      %add3A_35 = arith.addi %mul3A_33, %add3A_34 : i32
      %slice3A_36 = vector.extract_strided_slice %get3A_12 {offsets = [2], sizes = [1], strides = [1]} : vector<16xi32> to vector<1xi32>
      %squeeze3A_37 = vector.extract %slice3A_36[0] : i32 from vector<1xi32>
      %add3A_38 = arith.addi %mul3A_2, %add3A_35 : i32
      %dma_start3A_39 = arith.constant 0 : i32
      %dma_start3A_40 = tpu.memref_slice %arg4[%add3A_38, %dma_start3A_39] : memref<16384x64xf32, #tpu.memory_space<hbm>> -> memref<1x64xf32, #tpu.memory_space<hbm>>
      %dma_start3A_41 = arith.constant 0 : i32
      %dma_start3A_42 = tpu.memref_slice %arg3[%squeeze3A_37, %dma_start3A_41] : memref<1000000x64xf32, #tpu.memory_space<hbm>> -> memref<1x64xf32, #tpu.memory_space<hbm>>
      tpu.enqueue_dma source(%dma_start3A_42 : memref<1x64xf32, #tpu.memory_space<hbm>>) target(%dma_start3A_40 : memref<1x64xf32, #tpu.memory_space<hbm>>) target_semaphore(%arg6 : memref<!tpu.dma_semaphore, #tpu.memory_space<semaphore_mem>>)
      %mul3A_43 = arith.constant 16 : i32
      %mul3A_44 = arith.muli %scan3A_8, %mul3A_43 : i32
      %add3A_45 = arith.constant 3 : i32
      %add3A_46 = arith.addi %mul3A_44, %add3A_45 : i32
      %slice3A_47 = vector.extract_strided_slice %get3A_12 {offsets = [3], sizes = [1], strides = [1]} : vector<16xi32> to vector<1xi32>
      %squeeze3A_48 = vector.extract %slice3A_47[0] : i32 from vector<1xi32>
      %add3A_49 = arith.addi %mul3A_2, %add3A_46 : i32
      %dma_start3A_50 = arith.constant 0 : i32
      %dma_start3A_51 = tpu.memref_slice %arg4[%add3A_49, %dma_start3A_50] : memref<16384x64xf32, #tpu.memory_space<hbm>> -> memref<1x64xf32, #tpu.memory_space<hbm>>
      %dma_start3A_52 = arith.constant 0 : i32
      %dma_start3A_53 = tpu.memref_slice %arg3[%squeeze3A_48, %dma_start3A_52] : memref<1000000x64xf32, #tpu.memory_space<hbm>> -> memref<1x64xf32, #tpu.memory_space<hbm>>
      tpu.enqueue_dma source(%dma_start3A_53 : memref<1x64xf32, #tpu.memory_space<hbm>>) target(%dma_start3A_51 : memref<1x64xf32, #tpu.memory_space<hbm>>) target_semaphore(%arg6 : memref<!tpu.dma_semaphore, #tpu.memory_space<semaphore_mem>>)
      %mul3A_54 = arith.constant 16 : i32
      %mul3A_55 = arith.muli %scan3A_8, %mul3A_54 : i32
      %add3A_56 = arith.constant 4 : i32
      %add3A_57 = arith.addi %mul3A_55, %add3A_56 : i32
      %slice3A_58 = vector.extract_strided_slice %get3A_12 {offsets = [4], sizes = [1], strides = [1]} : vector<16xi32> to vector<1xi32>
      %squeeze3A_59 = vector.extract %slice3A_58[0] : i32 from vector<1xi32>
      %add3A_60 = arith.addi %mul3A_2, %add3A_57 : i32
      %dma_start3A_61 = arith.constant 0 : i32
      %dma_start3A_62 = tpu.memref_slice %arg4[%add3A_60, %dma_start3A_61] : memref<16384x64xf32, #tpu.memory_space<hbm>> -> memref<1x64xf32, #tpu.memory_space<hbm>>
      %dma_start3A_63 = arith.constant 0 : i32
      %dma_start3A_64 = tpu.memref_slice %arg3[%squeeze3A_59, %dma_start3A_63] : memref<1000000x64xf32, #tpu.memory_space<hbm>> -> memref<1x64xf32, #tpu.memory_space<hbm>>
      tpu.enqueue_dma source(%dma_start3A_64 : memref<1x64xf32, #tpu.memory_space<hbm>>) target(%dma_start3A_62 : memref<1x64xf32, #tpu.memory_space<hbm>>) target_semaphore(%arg6 : memref<!tpu.dma_semaphore, #tpu.memory_space<semaphore_mem>>)
      %mul3A_65 = arith.constant 16 : i32
      %mul3A_66 = arith.muli %scan3A_8, %mul3A_65 : i32
      %add3A_67 = arith.constant 5 : i32
      %add3A_68 = arith.addi %mul3A_66, %add3A_67 : i32
      %slice3A_69 = vector.extract_strided_slice %get3A_12 {offsets = [5], sizes = [1], strides = [1]} : vector<16xi32> to vector<1xi32>
      %squeeze3A_70 = vector.extract %slice3A_69[0] : i32 from vector<1xi32>
      %add3A_71 = arith.addi %mul3A_2, %add3A_68 : i32
      %dma_start3A_72 = arith.constant 0 : i32
      %dma_start3A_73 = tpu.memref_slice %arg4[%add3A_71, %dma_start3A_72] : memref<16384x64xf32, #tpu.memory_space<hbm>> -> memref<1x64xf32, #tpu.memory_space<hbm>>
      %dma_start3A_74 = arith.constant 0 : i32
      %dma_start3A_75 = tpu.memref_slice %arg3[%squeeze3A_70, %dma_start3A_74] : memref<1000000x64xf32, #tpu.memory_space<hbm>> -> memref<1x64xf32, #tpu.memory_space<hbm>>
      tpu.enqueue_dma source(%dma_start3A_75 : memref<1x64xf32, #tpu.memory_space<hbm>>) target(%dma_start3A_73 : memref<1x64xf32, #tpu.memory_space<hbm>>) target_semaphore(%arg6 : memref<!tpu.dma_semaphore, #tpu.memory_space<semaphore_mem>>)
      %mul3A_76 = arith.constant 16 : i32
      %mul3A_77 = arith.muli %scan3A_8, %mul3A_76 : i32
      %add3A_78 = arith.constant 6 : i32
      %add3A_79 = arith.addi %mul3A_77, %add3A_78 : i32
      %slice3A_80 = vector.extract_strided_slice %get3A_12 {offsets = [6], sizes = [1], strides = [1]} : vector<16xi32> to vector<1xi32>
      %squeeze3A_81 = vector.extract %slice3A_80[0] : i32 from vector<1xi32>
      %add3A_82 = arith.addi %mul3A_2, %add3A_79 : i32
      %dma_start3A_83 = arith.constant 0 : i32
      %dma_start3A_84 = tpu.memref_slice %arg4[%add3A_82, %dma_start3A_83] : memref<16384x64xf32, #tpu.memory_space<hbm>> -> memref<1x64xf32, #tpu.memory_space<hbm>>
      %dma_start3A_85 = arith.constant 0 : i32
      %dma_start3A_86 = tpu.memref_slice %arg3[%squeeze3A_81, %dma_start3A_85] : memref<1000000x64xf32, #tpu.memory_space<hbm>> -> memref<1x64xf32, #tpu.memory_space<hbm>>
      tpu.enqueue_dma source(%dma_start3A_86 : memref<1x64xf32, #tpu.memory_space<hbm>>) target(%dma_start3A_84 : memref<1x64xf32, #tpu.memory_space<hbm>>) target_semaphore(%arg6 : memref<!tpu.dma_semaphore, #tpu.memory_space<semaphore_mem>>)
      %mul3A_87 = arith.constant 16 : i32
      %mul3A_88 = arith.muli %scan3A_8, %mul3A_87 : i32
      %add3A_89 = arith.constant 7 : i32
      %add3A_90 = arith.addi %mul3A_88, %add3A_89 : i32
      %slice3A_91 = vector.extract_strided_slice %get3A_12 {offsets = [7], sizes = [1], strides = [1]} : vector<16xi32> to vector<1xi32>
      %squeeze3A_92 = vector.extract %slice3A_91[0] : i32 from vector<1xi32>
      %add3A_93 = arith.addi %mul3A_2, %add3A_90 : i32
      %dma_start3A_94 = arith.constant 0 : i32
      %dma_start3A_95 = tpu.memref_slice %arg4[%add3A_93, %dma_start3A_94] : memref<16384x64xf32, #tpu.memory_space<hbm>> -> memref<1x64xf32, #tpu.memory_space<hbm>>
      %dma_start3A_96 = arith.constant 0 : i32
      %dma_start3A_97 = tpu.memref_slice %arg3[%squeeze3A_92, %dma_start3A_96] : memref<1000000x64xf32, #tpu.memory_space<hbm>> -> memref<1x64xf32, #tpu.memory_space<hbm>>
      tpu.enqueue_dma source(%dma_start3A_97 : memref<1x64xf32, #tpu.memory_space<hbm>>) target(%dma_start3A_95 : memref<1x64xf32, #tpu.memory_space<hbm>>) target_semaphore(%arg6 : memref<!tpu.dma_semaphore, #tpu.memory_space<semaphore_mem>>)
      %mul3A_98 = arith.constant 16 : i32
      %mul3A_99 = arith.muli %scan3A_8, %mul3A_98 : i32
      %add3A_100 = arith.constant 8 : i32
      %add3A_101 = arith.addi %mul3A_99, %add3A_100 : i32
      %slice3A_102 = vector.extract_strided_slice %get3A_12 {offsets = [8], sizes = [1], strides = [1]} : vector<16xi32> to vector<1xi32>
      %squeeze3A_103 = vector.extract %slice3A_102[0] : i32 from vector<1xi32>
      %add3A_104 = arith.addi %mul3A_2, %add3A_101 : i32
      %dma_start3A_105 = arith.constant 0 : i32
      %dma_start3A_106 = tpu.memref_slice %arg4[%add3A_104, %dma_start3A_105] : memref<16384x64xf32, #tpu.memory_space<hbm>> -> memref<1x64xf32, #tpu.memory_space<hbm>>
      %dma_start3A_107 = arith.constant 0 : i32
      %dma_start3A_108 = tpu.memref_slice %arg3[%squeeze3A_103, %dma_start3A_107] : memref<1000000x64xf32, #tpu.memory_space<hbm>> -> memref<1x64xf32, #tpu.memory_space<hbm>>
      tpu.enqueue_dma source(%dma_start3A_108 : memref<1x64xf32, #tpu.memory_space<hbm>>) target(%dma_start3A_106 : memref<1x64xf32, #tpu.memory_space<hbm>>) target_semaphore(%arg6 : memref<!tpu.dma_semaphore, #tpu.memory_space<semaphore_mem>>)
      %mul3A_109 = arith.constant 16 : i32
      %mul3A_110 = arith.muli %scan3A_8, %mul3A_109 : i32
      %add3A_111 = arith.constant 9 : i32
      %add3A_112 = arith.addi %mul3A_110, %add3A_111 : i32
      %slice3A_113 = vector.extract_strided_slice %get3A_12 {offsets = [9], sizes = [1], strides = [1]} : vector<16xi32> to vector<1xi32>
      %squeeze3A_114 = vector.extract %slice3A_113[0] : i32 from vector<1xi32>
      %add3A_115 = arith.addi %mul3A_2, %add3A_112 : i32
      %dma_start3A_116 = arith.constant 0 : i32
      %dma_start3A_117 = tpu.memref_slice %arg4[%add3A_115, %dma_start3A_116] : memref<16384x64xf32, #tpu.memory_space<hbm>> -> memref<1x64xf32, #tpu.memory_space<hbm>>
      %dma_start3A_118 = arith.constant 0 : i32
      %dma_start3A_119 = tpu.memref_slice %arg3[%squeeze3A_114, %dma_start3A_118] : memref<1000000x64xf32, #tpu.memory_space<hbm>> -> memref<1x64xf32, #tpu.memory_space<hbm>>
      tpu.enqueue_dma source(%dma_start3A_119 : memref<1x64xf32, #tpu.memory_space<hbm>>) target(%dma_start3A_117 : memref<1x64xf32, #tpu.memory_space<hbm>>) target_semaphore(%arg6 : memref<!tpu.dma_semaphore, #tpu.memory_space<semaphore_mem>>)
      %mul3A_120 = arith.constant 16 : i32
      %mul3A_121 = arith.muli %scan3A_8, %mul3A_120 : i32
      %add3A_122 = arith.constant 10 : i32
      %add3A_123 = arith.addi %mul3A_121, %add3A_122 : i32
      %slice3A_124 = vector.extract_strided_slice %get3A_12 {offsets = [10], sizes = [1], strides = [1]} : vector<16xi32> to vector<1xi32>
      %squeeze3A_125 = vector.extract %slice3A_124[0] : i32 from vector<1xi32>
      %add3A_126 = arith.addi %mul3A_2, %add3A_123 : i32
      %dma_start3A_127 = arith.constant 0 : i32
      %dma_start3A_128 = tpu.memref_slice %arg4[%add3A_126, %dma_start3A_127] : memref<16384x64xf32, #tpu.memory_space<hbm>> -> memref<1x64xf32, #tpu.memory_space<hbm>>
      %dma_start3A_129 = arith.constant 0 : i32
      %dma_start3A_130 = tpu.memref_slice %arg3[%squeeze3A_125, %dma_start3A_129] : memref<1000000x64xf32, #tpu.memory_space<hbm>> -> memref<1x64xf32, #tpu.memory_space<hbm>>
      tpu.enqueue_dma source(%dma_start3A_130 : memref<1x64xf32, #tpu.memory_space<hbm>>) target(%dma_start3A_128 : memref<1x64xf32, #tpu.memory_space<hbm>>) target_semaphore(%arg6 : memref<!tpu.dma_semaphore, #tpu.memory_space<semaphore_mem>>)
      %mul3A_131 = arith.constant 16 : i32
      %mul3A_132 = arith.muli %scan3A_8, %mul3A_131 : i32
      %add3A_133 = arith.constant 11 : i32
      %add3A_134 = arith.addi %mul3A_132, %add3A_133 : i32
      %slice3A_135 = vector.extract_strided_slice %get3A_12 {offsets = [11], sizes = [1], strides = [1]} : vector<16xi32> to vector<1xi32>
      %squeeze3A_136 = vector.extract %slice3A_135[0] : i32 from vector<1xi32>
      %add3A_137 = arith.addi %mul3A_2, %add3A_134 : i32
      %dma_start3A_138 = arith.constant 0 : i32
      %dma_start3A_139 = tpu.memref_slice %arg4[%add3A_137, %dma_start3A_138] : memref<16384x64xf32, #tpu.memory_space<hbm>> -> memref<1x64xf32, #tpu.memory_space<hbm>>
      %dma_start3A_140 = arith.constant 0 : i32
      %dma_start3A_141 = tpu.memref_slice %arg3[%squeeze3A_136, %dma_start3A_140] : memref<1000000x64xf32, #tpu.memory_space<hbm>> -> memref<1x64xf32, #tpu.memory_space<hbm>>
      tpu.enqueue_dma source(%dma_start3A_141 : memref<1x64xf32, #tpu.memory_space<hbm>>) target(%dma_start3A_139 : memref<1x64xf32, #tpu.memory_space<hbm>>) target_semaphore(%arg6 : memref<!tpu.dma_semaphore, #tpu.memory_space<semaphore_mem>>)
      %mul3A_142 = arith.constant 16 : i32
      %mul3A_143 = arith.muli %scan3A_8, %mul3A_142 : i32
      %add3A_144 = arith.constant 12 : i32
      %add3A_145 = arith.addi %mul3A_143, %add3A_144 : i32
      %slice3A_146 = vector.extract_strided_slice %get3A_12 {offsets = [12], sizes = [1], strides = [1]} : vector<16xi32> to vector<1xi32>
      %squeeze3A_147 = vector.extract %slice3A_146[0] : i32 from vector<1xi32>
      %add3A_148 = arith.addi %mul3A_2, %add3A_145 : i32
      %dma_start3A_149 = arith.constant 0 : i32
      %dma_start3A_150 = tpu.memref_slice %arg4[%add3A_148, %dma_start3A_149] : memref<16384x64xf32, #tpu.memory_space<hbm>> -> memref<1x64xf32, #tpu.memory_space<hbm>>
      %dma_start3A_151 = arith.constant 0 : i32
      %dma_start3A_152 = tpu.memref_slice %arg3[%squeeze3A_147, %dma_start3A_151] : memref<1000000x64xf32, #tpu.memory_space<hbm>> -> memref<1x64xf32, #tpu.memory_space<hbm>>
      tpu.enqueue_dma source(%dma_start3A_152 : memref<1x64xf32, #tpu.memory_space<hbm>>) target(%dma_start3A_150 : memref<1x64xf32, #tpu.memory_space<hbm>>) target_semaphore(%arg6 : memref<!tpu.dma_semaphore, #tpu.memory_space<semaphore_mem>>)
      %mul3A_153 = arith.constant 16 : i32
      %mul3A_154 = arith.muli %scan3A_8, %mul3A_153 : i32
      %add3A_155 = arith.constant 13 : i32
      %add3A_156 = arith.addi %mul3A_154, %add3A_155 : i32
      %slice3A_157 = vector.extract_strided_slice %get3A_12 {offsets = [13], sizes = [1], strides = [1]} : vector<16xi32> to vector<1xi32>
      %squeeze3A_158 = vector.extract %slice3A_157[0] : i32 from vector<1xi32>
      %add3A_159 = arith.addi %mul3A_2, %add3A_156 : i32
      %dma_start3A_160 = arith.constant 0 : i32
      %dma_start3A_161 = tpu.memref_slice %arg4[%add3A_159, %dma_start3A_160] : memref<16384x64xf32, #tpu.memory_space<hbm>> -> memref<1x64xf32, #tpu.memory_space<hbm>>
      %dma_start3A_162 = arith.constant 0 : i32
      %dma_start3A_163 = tpu.memref_slice %arg3[%squeeze3A_158, %dma_start3A_162] : memref<1000000x64xf32, #tpu.memory_space<hbm>> -> memref<1x64xf32, #tpu.memory_space<hbm>>
      tpu.enqueue_dma source(%dma_start3A_163 : memref<1x64xf32, #tpu.memory_space<hbm>>) target(%dma_start3A_161 : memref<1x64xf32, #tpu.memory_space<hbm>>) target_semaphore(%arg6 : memref<!tpu.dma_semaphore, #tpu.memory_space<semaphore_mem>>)
      %mul3A_164 = arith.constant 16 : i32
      %mul3A_165 = arith.muli %scan3A_8, %mul3A_164 : i32
      %add3A_166 = arith.constant 14 : i32
      %add3A_167 = arith.addi %mul3A_165, %add3A_166 : i32
      %slice3A_168 = vector.extract_strided_slice %get3A_12 {offsets = [14], sizes = [1], strides = [1]} : vector<16xi32> to vector<1xi32>
      %squeeze3A_169 = vector.extract %slice3A_168[0] : i32 from vector<1xi32>
      %add3A_170 = arith.addi %mul3A_2, %add3A_167 : i32
      %dma_start3A_171 = arith.constant 0 : i32
      %dma_start3A_172 = tpu.memref_slice %arg4[%add3A_170, %dma_start3A_171] : memref<16384x64xf32, #tpu.memory_space<hbm>> -> memref<1x64xf32, #tpu.memory_space<hbm>>
      %dma_start3A_173 = arith.constant 0 : i32
      %dma_start3A_174 = tpu.memref_slice %arg3[%squeeze3A_169, %dma_start3A_173] : memref<1000000x64xf32, #tpu.memory_space<hbm>> -> memref<1x64xf32, #tpu.memory_space<hbm>>
      tpu.enqueue_dma source(%dma_start3A_174 : memref<1x64xf32, #tpu.memory_space<hbm>>) target(%dma_start3A_172 : memref<1x64xf32, #tpu.memory_space<hbm>>) target_semaphore(%arg6 : memref<!tpu.dma_semaphore, #tpu.memory_space<semaphore_mem>>)
      %mul3A_175 = arith.constant 16 : i32
      %mul3A_176 = arith.muli %scan3A_8, %mul3A_175 : i32
      %add3A_177 = arith.constant 15 : i32
      %add3A_178 = arith.addi %mul3A_176, %add3A_177 : i32
      %slice3A_179 = vector.extract_strided_slice %get3A_12 {offsets = [15], sizes = [1], strides = [1]} : vector<16xi32> to vector<1xi32>
      %squeeze3A_180 = vector.extract %slice3A_179[0] : i32 from vector<1xi32>
      %add3A_181 = arith.addi %mul3A_2, %add3A_178 : i32
      %dma_start3A_182 = arith.constant 0 : i32
      %dma_start3A_183 = tpu.memref_slice %arg4[%add3A_181, %dma_start3A_182] : memref<16384x64xf32, #tpu.memory_space<hbm>> -> memref<1x64xf32, #tpu.memory_space<hbm>>
      %dma_start3A_184 = arith.constant 0 : i32
      %dma_start3A_185 = tpu.memref_slice %arg3[%squeeze3A_180, %dma_start3A_184] : memref<1000000x64xf32, #tpu.memory_space<hbm>> -> memref<1x64xf32, #tpu.memory_space<hbm>>
      tpu.enqueue_dma source(%dma_start3A_185 : memref<1x64xf32, #tpu.memory_space<hbm>>) target(%dma_start3A_183 : memref<1x64xf32, #tpu.memory_space<hbm>>) target_semaphore(%arg6 : memref<!tpu.dma_semaphore, #tpu.memory_space<semaphore_mem>>)
      %dma_wait3A = arith.constant 0 : i32
      %dma_wait3A_186 = tpu.memref_slice %arg4[%add3A_17, %dma_wait3A] : memref<16384x64xf32, #tpu.memory_space<hbm>> -> memref<1x64xf32, #tpu.memory_space<hbm>>
      %dma_wait3A_187 = arith.constant 0 : i32
      %dma_wait3A_188 = tpu.memref_slice %arg3[%squeeze3A, %dma_wait3A_187] : memref<1000000x64xf32, #tpu.memory_space<hbm>> -> memref<1x64xf32, #tpu.memory_space<hbm>>
      tpu.wait_dma2 semaphore(%arg6 : memref<!tpu.dma_semaphore, #tpu.memory_space<semaphore_mem>>) src(%dma_wait3A_188 : memref<1x64xf32, #tpu.memory_space<hbm>>) dst(%dma_wait3A_186 : memref<1x64xf32, #tpu.memory_space<hbm>>)
      %dma_wait3A_189 = arith.constant 0 : i32
      %dma_wait3A_190 = tpu.memref_slice %arg4[%add3A_27, %dma_wait3A_189] : memref<16384x64xf32, #tpu.memory_space<hbm>> -> memref<1x64xf32, #tpu.memory_space<hbm>>
      %dma_wait3A_191 = arith.constant 0 : i32
      %dma_wait3A_192 = tpu.memref_slice %arg3[%squeeze3A_26, %dma_wait3A_191] : memref<1000000x64xf32, #tpu.memory_space<hbm>> -> memref<1x64xf32, #tpu.memory_space<hbm>>
      tpu.wait_dma2 semaphore(%arg6 : memref<!tpu.dma_semaphore, #tpu.memory_space<semaphore_mem>>) src(%dma_wait3A_192 : memref<1x64xf32, #tpu.memory_space<hbm>>) dst(%dma_wait3A_190 : memref<1x64xf32, #tpu.memory_space<hbm>>)
      %dma_wait3A_193 = arith.constant 0 : i32
      %dma_wait3A_194 = tpu.memref_slice %arg4[%add3A_38, %dma_wait3A_193] : memref<16384x64xf32, #tpu.memory_space<hbm>> -> memref<1x64xf32, #tpu.memory_space<hbm>>
      %dma_wait3A_195 = arith.constant 0 : i32
      %dma_wait3A_196 = tpu.memref_slice %arg3[%squeeze3A_37, %dma_wait3A_195] : memref<1000000x64xf32, #tpu.memory_space<hbm>> -> memref<1x64xf32, #tpu.memory_space<hbm>>
      tpu.wait_dma2 semaphore(%arg6 : memref<!tpu.dma_semaphore, #tpu.memory_space<semaphore_mem>>) src(%dma_wait3A_196 : memref<1x64xf32, #tpu.memory_space<hbm>>) dst(%dma_wait3A_194 : memref<1x64xf32, #tpu.memory_space<hbm>>)
      %dma_wait3A_197 = arith.constant 0 : i32
      %dma_wait3A_198 = tpu.memref_slice %arg4[%add3A_49, %dma_wait3A_197] : memref<16384x64xf32, #tpu.memory_space<hbm>> -> memref<1x64xf32, #tpu.memory_space<hbm>>
      %dma_wait3A_199 = arith.constant 0 : i32
      %dma_wait3A_200 = tpu.memref_slice %arg3[%squeeze3A_48, %dma_wait3A_199] : memref<1000000x64xf32, #tpu.memory_space<hbm>> -> memref<1x64xf32, #tpu.memory_space<hbm>>
      tpu.wait_dma2 semaphore(%arg6 : memref<!tpu.dma_semaphore, #tpu.memory_space<semaphore_mem>>) src(%dma_wait3A_200 : memref<1x64xf32, #tpu.memory_space<hbm>>) dst(%dma_wait3A_198 : memref<1x64xf32, #tpu.memory_space<hbm>>)
      %dma_wait3A_201 = arith.constant 0 : i32
      %dma_wait3A_202 = tpu.memref_slice %arg4[%add3A_60, %dma_wait3A_201] : memref<16384x64xf32, #tpu.memory_space<hbm>> -> memref<1x64xf32, #tpu.memory_space<hbm>>
      %dma_wait3A_203 = arith.constant 0 : i32
      %dma_wait3A_204 = tpu.memref_slice %arg3[%squeeze3A_59, %dma_wait3A_203] : memref<1000000x64xf32, #tpu.memory_space<hbm>> -> memref<1x64xf32, #tpu.memory_space<hbm>>
      tpu.wait_dma2 semaphore(%arg6 : memref<!tpu.dma_semaphore, #tpu.memory_space<semaphore_mem>>) src(%dma_wait3A_204 : memref<1x64xf32, #tpu.memory_space<hbm>>) dst(%dma_wait3A_202 : memref<1x64xf32, #tpu.memory_space<hbm>>)
      %dma_wait3A_205 = arith.constant 0 : i32
      %dma_wait3A_206 = tpu.memref_slice %arg4[%add3A_71, %dma_wait3A_205] : memref<16384x64xf32, #tpu.memory_space<hbm>> -> memref<1x64xf32, #tpu.memory_space<hbm>>
      %dma_wait3A_207 = arith.constant 0 : i32
      %dma_wait3A_208 = tpu.memref_slice %arg3[%squeeze3A_70, %dma_wait3A_207] : memref<1000000x64xf32, #tpu.memory_space<hbm>> -> memref<1x64xf32, #tpu.memory_space<hbm>>
      tpu.wait_dma2 semaphore(%arg6 : memref<!tpu.dma_semaphore, #tpu.memory_space<semaphore_mem>>) src(%dma_wait3A_208 : memref<1x64xf32, #tpu.memory_space<hbm>>) dst(%dma_wait3A_206 : memref<1x64xf32, #tpu.memory_space<hbm>>)
      %dma_wait3A_209 = arith.constant 0 : i32
      %dma_wait3A_210 = tpu.memref_slice %arg4[%add3A_82, %dma_wait3A_209] : memref<16384x64xf32, #tpu.memory_space<hbm>> -> memref<1x64xf32, #tpu.memory_space<hbm>>
      %dma_wait3A_211 = arith.constant 0 : i32
      %dma_wait3A_212 = tpu.memref_slice %arg3[%squeeze3A_81, %dma_wait3A_211] : memref<1000000x64xf32, #tpu.memory_space<hbm>> -> memref<1x64xf32, #tpu.memory_space<hbm>>
      tpu.wait_dma2 semaphore(%arg6 : memref<!tpu.dma_semaphore, #tpu.memory_space<semaphore_mem>>) src(%dma_wait3A_212 : memref<1x64xf32, #tpu.memory_space<hbm>>) dst(%dma_wait3A_210 : memref<1x64xf32, #tpu.memory_space<hbm>>)
      %dma_wait3A_213 = arith.constant 0 : i32
      %dma_wait3A_214 = tpu.memref_slice %arg4[%add3A_93, %dma_wait3A_213] : memref<16384x64xf32, #tpu.memory_space<hbm>> -> memref<1x64xf32, #tpu.memory_space<hbm>>
      %dma_wait3A_215 = arith.constant 0 : i32
      %dma_wait3A_216 = tpu.memref_slice %arg3[%squeeze3A_92, %dma_wait3A_215] : memref<1000000x64xf32, #tpu.memory_space<hbm>> -> memref<1x64xf32, #tpu.memory_space<hbm>>
      tpu.wait_dma2 semaphore(%arg6 : memref<!tpu.dma_semaphore, #tpu.memory_space<semaphore_mem>>) src(%dma_wait3A_216 : memref<1x64xf32, #tpu.memory_space<hbm>>) dst(%dma_wait3A_214 : memref<1x64xf32, #tpu.memory_space<hbm>>)
      %dma_wait3A_217 = arith.constant 0 : i32
      %dma_wait3A_218 = tpu.memref_slice %arg4[%add3A_104, %dma_wait3A_217] : memref<16384x64xf32, #tpu.memory_space<hbm>> -> memref<1x64xf32, #tpu.memory_space<hbm>>
      %dma_wait3A_219 = arith.constant 0 : i32
      %dma_wait3A_220 = tpu.memref_slice %arg3[%squeeze3A_103, %dma_wait3A_219] : memref<1000000x64xf32, #tpu.memory_space<hbm>> -> memref<1x64xf32, #tpu.memory_space<hbm>>
      tpu.wait_dma2 semaphore(%arg6 : memref<!tpu.dma_semaphore, #tpu.memory_space<semaphore_mem>>) src(%dma_wait3A_220 : memref<1x64xf32, #tpu.memory_space<hbm>>) dst(%dma_wait3A_218 : memref<1x64xf32, #tpu.memory_space<hbm>>)
      %dma_wait3A_221 = arith.constant 0 : i32
      %dma_wait3A_222 = tpu.memref_slice %arg4[%add3A_115, %dma_wait3A_221] : memref<16384x64xf32, #tpu.memory_space<hbm>> -> memref<1x64xf32, #tpu.memory_space<hbm>>
      %dma_wait3A_223 = arith.constant 0 : i32
      %dma_wait3A_224 = tpu.memref_slice %arg3[%squeeze3A_114, %dma_wait3A_223] : memref<1000000x64xf32, #tpu.memory_space<hbm>> -> memref<1x64xf32, #tpu.memory_space<hbm>>
      tpu.wait_dma2 semaphore(%arg6 : memref<!tpu.dma_semaphore, #tpu.memory_space<semaphore_mem>>) src(%dma_wait3A_224 : memref<1x64xf32, #tpu.memory_space<hbm>>) dst(%dma_wait3A_222 : memref<1x64xf32, #tpu.memory_space<hbm>>)
      %dma_wait3A_225 = arith.constant 0 : i32
      %dma_wait3A_226 = tpu.memref_slice %arg4[%add3A_126, %dma_wait3A_225] : memref<16384x64xf32, #tpu.memory_space<hbm>> -> memref<1x64xf32, #tpu.memory_space<hbm>>
      %dma_wait3A_227 = arith.constant 0 : i32
      %dma_wait3A_228 = tpu.memref_slice %arg3[%squeeze3A_125, %dma_wait3A_227] : memref<1000000x64xf32, #tpu.memory_space<hbm>> -> memref<1x64xf32, #tpu.memory_space<hbm>>
      tpu.wait_dma2 semaphore(%arg6 : memref<!tpu.dma_semaphore, #tpu.memory_space<semaphore_mem>>) src(%dma_wait3A_228 : memref<1x64xf32, #tpu.memory_space<hbm>>) dst(%dma_wait3A_226 : memref<1x64xf32, #tpu.memory_space<hbm>>)
      %dma_wait3A_229 = arith.constant 0 : i32
      %dma_wait3A_230 = tpu.memref_slice %arg4[%add3A_137, %dma_wait3A_229] : memref<16384x64xf32, #tpu.memory_space<hbm>> -> memref<1x64xf32, #tpu.memory_space<hbm>>
      %dma_wait3A_231 = arith.constant 0 : i32
      %dma_wait3A_232 = tpu.memref_slice %arg3[%squeeze3A_136, %dma_wait3A_231] : memref<1000000x64xf32, #tpu.memory_space<hbm>> -> memref<1x64xf32, #tpu.memory_space<hbm>>
      tpu.wait_dma2 semaphore(%arg6 : memref<!tpu.dma_semaphore, #tpu.memory_space<semaphore_mem>>) src(%dma_wait3A_232 : memref<1x64xf32, #tpu.memory_space<hbm>>) dst(%dma_wait3A_230 : memref<1x64xf32, #tpu.memory_space<hbm>>)
      %dma_wait3A_233 = arith.constant 0 : i32
      %dma_wait3A_234 = tpu.memref_slice %arg4[%add3A_148, %dma_wait3A_233] : memref<16384x64xf32, #tpu.memory_space<hbm>> -> memref<1x64xf32, #tpu.memory_space<hbm>>
      %dma_wait3A_235 = arith.constant 0 : i32
      %dma_wait3A_236 = tpu.memref_slice %arg3[%squeeze3A_147, %dma_wait3A_235] : memref<1000000x64xf32, #tpu.memory_space<hbm>> -> memref<1x64xf32, #tpu.memory_space<hbm>>
      tpu.wait_dma2 semaphore(%arg6 : memref<!tpu.dma_semaphore, #tpu.memory_space<semaphore_mem>>) src(%dma_wait3A_236 : memref<1x64xf32, #tpu.memory_space<hbm>>) dst(%dma_wait3A_234 : memref<1x64xf32, #tpu.memory_space<hbm>>)
      %dma_wait3A_237 = arith.constant 0 : i32
      %dma_wait3A_238 = tpu.memref_slice %arg4[%add3A_159, %dma_wait3A_237] : memref<16384x64xf32, #tpu.memory_space<hbm>> -> memref<1x64xf32, #tpu.memory_space<hbm>>
      %dma_wait3A_239 = arith.constant 0 : i32
      %dma_wait3A_240 = tpu.memref_slice %arg3[%squeeze3A_158, %dma_wait3A_239] : memref<1000000x64xf32, #tpu.memory_space<hbm>> -> memref<1x64xf32, #tpu.memory_space<hbm>>
      tpu.wait_dma2 semaphore(%arg6 : memref<!tpu.dma_semaphore, #tpu.memory_space<semaphore_mem>>) src(%dma_wait3A_240 : memref<1x64xf32, #tpu.memory_space<hbm>>) dst(%dma_wait3A_238 : memref<1x64xf32, #tpu.memory_space<hbm>>)
      %dma_wait3A_241 = arith.constant 0 : i32
      %dma_wait3A_242 = tpu.memref_slice %arg4[%add3A_170, %dma_wait3A_241] : memref<16384x64xf32, #tpu.memory_space<hbm>> -> memref<1x64xf32, #tpu.memory_space<hbm>>
      %dma_wait3A_243 = arith.constant 0 : i32
      %dma_wait3A_244 = tpu.memref_slice %arg3[%squeeze3A_169, %dma_wait3A_243] : memref<1000000x64xf32, #tpu.memory_space<hbm>> -> memref<1x64xf32, #tpu.memory_space<hbm>>
      tpu.wait_dma2 semaphore(%arg6 : memref<!tpu.dma_semaphore, #tpu.memory_space<semaphore_mem>>) src(%dma_wait3A_244 : memref<1x64xf32, #tpu.memory_space<hbm>>) dst(%dma_wait3A_242 : memref<1x64xf32, #tpu.memory_space<hbm>>)
      %dma_wait3A_245 = arith.constant 0 : i32
      %dma_wait3A_246 = tpu.memref_slice %arg4[%add3A_181, %dma_wait3A_245] : memref<16384x64xf32, #tpu.memory_space<hbm>> -> memref<1x64xf32, #tpu.memory_space<hbm>>
      %dma_wait3A_247 = arith.constant 0 : i32
      %dma_wait3A_248 = tpu.memref_slice %arg3[%squeeze3A_180, %dma_wait3A_247] : memref<1000000x64xf32, #tpu.memory_space<hbm>> -> memref<1x64xf32, #tpu.memory_space<hbm>>
      tpu.wait_dma2 semaphore(%arg6 : memref<!tpu.dma_semaphore, #tpu.memory_space<semaphore_mem>>) src(%dma_wait3A_248 : memref<1x64xf32, #tpu.memory_space<hbm>>) dst(%dma_wait3A_246 : memref<1x64xf32, #tpu.memory_space<hbm>>)
    }
    %scan3A_7 = arith.constant 32 : i32
    return
  }
}

module attributes {stable_mosaic.version = 14 : i64} {
  func.func @body(%arg0: i32, %arg1: memref<2048x64xf32, #tpu.memory_space<vmem>>, %arg2: memref<128x64xf32, #tpu.memory_space<vmem>>, %arg3: memref<2048x128xf32, #tpu.memory_space<vmem>>) attributes {dimension_semantics = [#tpu.dimension_semantics<arbitrary>], iteration_bounds = array<i64: 8>, scalar_prefetch = 0 : i64, scratch_operands = 0 : i64, tpu.core_type = #tpu.core_type<tc>, window_params = [{transform_indices = @transform_0, window_bounds = array<i64: 2048, 64>}, {pipeline_mode = #tpu.pipeline_mode<synchronous>, transform_indices = @transform_1, window_bounds = array<i64: 128, 64>}, {transform_indices = @transform_2, window_bounds = array<i64: 2048, 128>}]} {
    %get3A = arith.constant 0 : index
    %get3A_0 = arith.constant 0 : index
    %get3A_1 = vector.load %arg1[%get3A, %get3A_0] : memref<2048x64xf32, #tpu.memory_space<vmem>>, vector<2048x64xf32>
    %get3A_2 = arith.constant 0 : index
    %get3A_3 = arith.constant 0 : index
    %get3A_4 = vector.load %arg2[%get3A_2, %get3A_3] : memref<128x64xf32, #tpu.memory_space<vmem>>, vector<128x64xf32>
    %dot_general3A = arith.constant dense<0.000000e+00> : vector<2048x128xf32>
    %dot_general3A_5 = tpu.matmul %get3A_1, %get3A_4, %dot_general3A {dimension_numbers = #tpu.dot_dimension_numbers<[1], [1], [0], [0], [0, 0, 1, 0], [], []>, transpose_lhs_hint = false} : vector<2048x64xf32>, vector<128x64xf32>, vector<2048x128xf32> -> vector<2048x128xf32>
    %mul3A = arith.mulf %dot_general3A_5, %dot_general3A_5 : vector<2048x128xf32>
    %swap3A = arith.constant 0 : index
    %swap3A_6 = arith.constant 0 : index
    %swap3A_7 = vector.load %arg3[%swap3A, %swap3A_6] : memref<2048x128xf32, #tpu.memory_space<vmem>>, vector<2048x128xf32>
    tpu.vector_store %arg3[%swap3A, %swap3A_6], %mul3A {strides = array<i32>} : memref<2048x128xf32, #tpu.memory_space<vmem>>, vector<2048x128xf32>,
    return
  }
  func.func @transform_0(%arg0: i32) -> (i32, i32) {
    %c0_i32 = arith.constant 0 : i32
    %c0_i32_0 = arith.constant 0 : i32
    return %arg0, %c0_i32 : i32, i32
  }
  func.func @transform_1(%arg0: i32) -> (i32, i32) {
    %c0_i32 = arith.constant 0 : i32
    %c0_i32_0 = arith.constant 0 : i32
    %c0_i32_1 = arith.constant 0 : i32
    return %c0_i32, %c0_i32_0 : i32, i32
  }
  func.func @transform_2(%arg0: i32) -> (i32, i32) {
    %c0_i32 = arith.constant 0 : i32
    %c0_i32_0 = arith.constant 0 : i32
    return %arg0, %c0_i32 : i32, i32
  }
}

</mosaic_0001>

<sc_bundles>
// kernel: kernel.4.cloned.1.call-start
scs
__scs_entry_jumppad:
0x0: {  	(pc) =	sbr.rel $0x88, $3  }
0x1: {  	(tag) =	ssettag $0x0;
	lr =	simm.s32 $0x1  }
0x2: {  	[smem:$0x3F9E] =	sst lr;
	_ =	strace $0xD0000000  }
0x3: {  	_ = 	snop  }
0x4: {  	_ = 	snop  }
0x5: {  	_ = 	snop  }
0x6: {  	_ = 	snop  }
0x7: {  	_ = 	snop  }
__scs_overlays_trampoline_lowered:
0x8: {  	[smem:$0x3FAD] =	sst s0  }
0x9: {  	[smem:$0x3FAE] =	sst s1  }
0xa: {  	[smem:$0x3FAF] =	sst s2  }
0xb: {  	[smem:$0x3FB0] =	sst s3  }
0xc: {  	[smem:$0x3FB1] =	sst s4  }
0xd: {  	[smem:$0x3FB2] =	sst s5  }
0xe: {  	[smem:$0x3FB3] =	sst s6  }
0xf: {  	[smem:$0x3FB4] =	sst s7  }
0x10: {  	[smem:$0x3FB5] =	sst s8  }
0x11: {  	[smem:$0x3FB6] =	sst s9;
	s0 =	simm.s32 @!p0 $0x0  }
0x12: {  	s1 =	sld [smem:$0x3F9C];
	s0 =	simm.s32 @p0 $0x1  }
0x13: {  	[smem:$0x3FB7] =	sst s0;
	s0 =	simm.s32 @!p1 $0x0  }
0x14: {  	s2 =	sld [smem:$0x3F9B];
	s0 =	simm.s32 @p1 $0x1  }
0x15: {  	[smem:$0x3FB8] =	sst s0;
	s0 =	simm.s32 @!p2 $0x0  }
0x16: {  	s3 =	sld [smem:$0x3FDB];
	s0 =	simm.s32 @p2 $0x1  }
0x17: {  	s4 =	simm.s32 $0x1BF5;
	[smem:$0x3FBA] =	sst s0  }
0x18: {  	s0 =	sld [smem:$0x3F9D];
	_ =	swait.ge [sflag:s4], $0x0  }
0x19: {  	s7 =	sld [smem:$0x3F9E]  }
0x1a: {  	s8 =	sadd.s32 $0xFFFFE003, lr  }
0x1b: {  	s9 =	sadd.s32 $0xFFFFFEF7, lr;
	s5 =	simm.s32 $0xFFFFFFFF;
	p2 =	slt.u32 s8, $0xFFFFF086  }
0x1c: {  	p1 =	slt.u32 s9, $0xF7A;
	s5 =	simm.s32 @!p2 $0x0  }
0x1d: {  	s5 =	simm.s32 @p1 $0x1;
	p0 =	seq.s32 s7, s2  }
0x1e: {  	s7 =	smul.u32 @!p0 $0xF7A, s2;
	p2 =	seq.s32 @!p0 s5, $0x0  }
0x1f: {  	s9 =	smul.u32 $0xF7A, s1;
	s8 =	simm.s32 @!p0 $0x1BF5;
	p2 =	por !p2, p0  }
0x20: {  	[sflag:s8] =	ssyncset.s32 @!p0 $0xFFFFF086;
	s6 =	sadd.s32 @!p0 s3, s7;
	s7 =	simm.s32 @!p0 $0x108  }
0x21: {  	s3 =	sadd.s32 s3, s9;
	s6 =	sadd.s32 @!p0 $0x88, s6;
	s7 =	simm.s32 @p2 $0x1082  }
0x22: {  	[simem:s7], [sflag:s8] =	dma.local @!p0 [hbm:s6], $0xF7A  }
0x23: {  	s9 =	sor.u32 $0xD0000000, s2;
	s6 =	simm.s32 $0x108;
	_ =	swait.ge @!p0 [sflag:s8], $0x0  }
0x24: {  	s3 =	sadd.s32 $0x88, s3;
	s6 =	simm.s32 @!p1 $0x1082;
	[sflag:s4] =	ssyncset.s32 $0xFFFFF086  }
0x25: {  	[simem:s6], [sflag:s4] =	dma.local [hbm:s3], $0xF7A  }
0x26: {  	[smem:$0x3F9E] =	sst s1;
	(tag) =	ssettag s2;
	_ =	strace s9  }
0x27: {  	s1 =	sld [smem:$0x3FAE]  }
0x28: {  	s2 =	sld [smem:$0x3FAF]  }
0x29: {  	s4 =	sld [smem:$0x3FB1]  }
0x2a: {  	p0 =	seq.s32 s5, $0x0;
	s5 =	sld [smem:$0x3FB2]  }
0x2b: {  	s6 =	sld [smem:$0x3FB3]  }
0x2c: {  	s7 =	sld [smem:$0x3FB4]  }
0x2d: {  	s3 =	simm.s32 $0x108;
	s8 =	sld [smem:$0x3FB5]  }
0x2e: {  	s3 =	simm.s32 @!p0 $0x1082;
	s9 =	sld [smem:$0x3FB6]  }
0x2f: {  	lr =	sadd.s32 s0, s3;
	s0 =	sld [smem:$0x3FAD]  }
0x30: {  	s3 =	sld [smem:$0x3FB0]  }
0x31: {  	[smem:$0x3FB9] =	sst s10  }
0x32: {  	s10 =	sld [smem:$0x3FB7];
	_ =	sdelay $0x3  }
0x33: {  	p0 =	seq.s32 s10, $0x1;
	s10 =	sld [smem:$0x3FB9];
	_ =	sdelay $0x3  }
0x34: {  	[smem:$0x3FB9] =	sst s10  }
0x35: {  	s10 =	sld [smem:$0x3FB8];
	_ =	sdelay $0x3  }
0x36: {  	p1 =	seq.s32 s10, $0x1;
	s10 =	sld [smem:$0x3FB9];
	_ =	sdelay $0x3  }
0x37: {  	[smem:$0x3FB9] =	sst s10  }
0x38: {  	s10 =	sld [smem:$0x3FBA]  }
0x39: {  	_ = 	snop;
	(pc) =	sbr.ind lr, $3  }
0x3a: {  	_ = 	snop  }
0x3b: {  	_ = 	snop  }
0x3c: {  	p2 =	seq.s32 s10, $0x1;
	s10 =	sld [smem:$0x3FB9]  }
0x3d: {  	_ =	shalt  }
0x3e: {  	_ =	shalt  }
0x3f: {  	_ =	shalt  }
0x40: {  	_ =	shalt  }
0x41: {  	_ =	shalt  }
0x42: {  	_ =	shalt  }
0x43: {  	_ =	shalt  }
0x44: {  	_ =	shalt  }
0x45: {  	_ =	shalt  }
0x46: {  	_ =	shalt  }
0x47: {  	_ =	shalt  }
0x48: {  	_ =	shalt  }
0x49: {  	_ =	shalt  }
0x4a: {  	_ =	shalt  }
0x4b: {  	_ =	shalt  }
0x4c: {  	_ =	shalt  }
0x4d: {  	_ =	shalt  }
0x4e: {  	_ =	shalt  }
0x4f: {  	_ =	shalt  }
0x50: {  	_ =	shalt  }
0x51: {  	_ =	shalt  }
0x52: {  	_ =	shalt  }
0x53: {  	_ =	shalt  }
0x54: {  	_ =	shalt  }
0x55: {  	_ =	shalt  }
0x56: {  	_ =	shalt  }
0x57: {  	_ =	shalt  }
0x58: {  	_ =	shalt  }
0x59: {  	_ =	shalt  }
0x5a: {  	_ =	shalt  }
0x5b: {  	_ =	shalt  }
0x5c: {  	_ =	shalt  }
0x5d: {  	_ =	shalt  }
0x5e: {  	_ =	shalt  }
0x5f: {  	_ =	shalt  }
0x60: {  	_ =	shalt  }
0x61: {  	_ =	shalt  }
0x62: {  	_ =	shalt  }
0x63: {  	_ =	shalt  }
0x64: {  	_ =	shalt  }
0x65: {  	_ =	shalt  }
0x66: {  	_ =	shalt  }
0x67: {  	_ =	shalt  }
0x68: {  	_ =	shalt  }
0x69: {  	_ =	shalt  }
0x6a: {  	_ =	shalt  }
0x6b: {  	_ =	shalt  }
0x6c: {  	_ =	shalt  }
0x6d: {  	_ =	shalt  }
0x6e: {  	_ =	shalt  }
0x6f: {  	_ =	shalt  }
0x70: {  	_ =	shalt  }
0x71: {  	_ =	shalt  }
0x72: {  	_ =	shalt  }
0x73: {  	_ =	shalt  }
0x74: {  	_ =	shalt  }
0x75: {  	_ =	shalt  }
0x76: {  	_ =	shalt  }
0x77: {  	_ =	shalt  }
0x78: {  	_ =	shalt  }
0x79: {  	_ =	shalt  }
0x7a: {  	_ =	shalt  }
0x7b: {  	_ =	shalt  }
0x7c: {  	_ =	shalt  }
0x7d: {  	_ =	shalt  }
0x7e: {  	_ =	shalt  }
0x7f: {  	_ =	shalt  }
0x80: {  	_ =	shalt  }
0x81: {  	_ =	shalt  }
0x82: {  	_ =	shalt  }
0x83: {  	_ =	shalt  }
0x84: {  	_ =	shalt  }
0x85: {  	_ =	shalt  }
0x86: {  	_ =	shalt  }
0x87: {  	_ =	shalt  }
.Lfunc_end0:
.L_simem_size_0:
called_computation_lowered:
.L_overlay_start_0:
0x88: {  	s2 =	sld [smem:$0x3FD9]  }
0x89: {  	s3 =	sld [smem:$0x3FFE];
	_ =	sdelay $0x1  }
0x8a: {  	s1 =	srdreg.scid  }
0x8b: {  	s0 =	sand.u32 $0x1, s1  }
0x8c: {  	s17 =	sshll.u32 s0, $0xA;
	s2 =	sadd.s32 s3, s2  }
0x8d: {  	s2 =	sadd.s32 s2, s17  }
0x8e: {  	[smem:$0x3FC5] =	sst s2  }
0x8f: {  	_ = 	snop  }
0x90: {  	s2 =	sld [smem:$0x3FC9]  }
0x91: {  	s18 =	sld [smem:$0x3FD0];
	(tm) =	ssettm $0x1  }
0x92: {  	s4 =	sld [smem:$0x3FFB];
	_ =	sdelay $0x3  }
0x93: {  	_ =	strace s4  }
0x94: {  	s4 =	sld [smem:$0x3FFC];
	_ =	sdelay $0x3  }
0x95: {  	_ =	strace s4  }
0x96: {  	s4 =	sld [smem:$0x3FFD];
	_ =	sdelay $0x3  }
0x97: {  	_ =	strace s4  }
0x98: {  	_ =	strace $0x8FFFFFFF  }
0x99: {  	s19 =	sld [smem:$0x3FDB];
	_ =	sdelay $0x1  }
0x9a: {  	s5 =	simm.s32 $_scs_section_size  }
0x9b: {  	s6 =	simm.s32 $_size__tile_overlayer_lowered;
	s7 =	simm.s32 $_tile_overlayer_lowered  }
0x9c: {  	s22 =	simm.s32 $0x1BFF;
	s21 =	sshll.u32 s7, $0x1;
	s4 =	sadd.s32 s5, s19  }
0x9d: {  	s8 =	simm.s32 $0x0;
	s20 =	sshll.u32 s6, $0x1;
	s6 =	sadd.s32 s21, s4  }
0x9e: {  	[timem:s8], [sflag:s22] =	dma.local [hbm:s6], s20  }
0x9f: {  	_ =	swait.ge [sflag:s22], s20  }
0xa0: {  	s5 =	ssub.s32 $0x0, s20;
	[sflag:s22] =	ssyncset.done $0x0  }
0xa1: {  	[sflag:s22] =	ssyncadd.s32 s5;
	_ =	sdelay $0x1  }
0xa2: {  	s23 =	simm.s32 $0x1B8B  }
0xa3: {  	_ =	swait.ge [sflag:s23], $0x1  }
0xa4: {  	[sflag:s23] =	ssyncset.done $0x0  }
0xa5: {  	s25 =	simm.s32 $0x1B8E;
	s24 =	sld [smem:$0x3FFE];
	[sflag:s23] =	ssyncadd.s32 $0xFFFFFFFF  }
0xa6: {  	s26 =	simm.s32 $execute0_lowered;
	[smem:$0x3FD2] =	sst s25  }
0xa7: {  	s6 =	sshll.u32 s26, $0x1;
	_ =	strace $0x80000046;
	[dreg:$0x1] =	wrdreg $0xFFFFFFFF  }
0xa8: {  	s28 =	simm.s32 $_size_execute0_lowered;
	s4 =	sadd.s32 s4, s6;
	[dreg:$0x0] =	wrdreg $0x0  }
0xa9: {  	s6 =	sshll.u32 s28, $0x1;
	[dreg:$0x2] =	wrdreg s4  }
0xaa: {  	[dreg:$0x3] =	wrdreg s6  }
0xab: {  	[dreg:$0x4] =	wrdreg $0xC0  }
0xac: {  	_ =	task [dreg:s8], $0x5FFFF  }
0xad: {  	[dreg:$0x1] =	wrdreg $0xFFFFFFFF  }
0xae: {  	[dreg:$0x0] =	wrdreg $0x60  }
0xaf: {  	[dreg:$0x2] =	wrdreg s2  }
0xb0: {  	[dreg:$0x3] =	wrdreg s24  }
0xb1: {  	[dreg:$0x4] =	wrdreg s18  }
0xb2: {  	[dreg:$0x5] =	wrdreg $0x9  }
0xb3: {  	_ =	task.clear_ibuf [dreg:s8], $0x6FFFF;
	_ =	strace $0x90000046  }
0xb4: {  	s29 =	simm.s32 $0x9;
	_ =	strace $0x80000048  }
0xb5: {  	_ =	swait.ge [sflag:s29], $0x1  }
0xb6: {  	[sflag:s29] =	ssyncadd.s32 $0xFFFFFFFF  }
0xb7: {  	_ =	strace $0x90000048  }
0xb8: {  	_ =	sfence  }
0xb9: {  	s30 =	sld [smem:$0x0];
	_ =	sdelay $0x2  }
0xba: {  	s31 =	sshll.u32 s1, $0xD;
	s1 =	sshrl.u32 s1, $0x2  }
0xbb: {  	s3 =	sand.u32 $0x4000, s31;
	s1 =	sadd.s32 s1, s30  }
0xbc: {  	s0 =	sor.u32 s3, s0;
	s1 =	sshll.u32 s1, $0x11  }
0xbd: {  	s0 =	sor.u32 s1, s0  }
0xbe: {  	s0 =	sadd.s32 $0x8F2B, s0  }
0xbf: {  	[sflag:s0] =	ssyncadd.remote.s32 $0x1  }
0xc0: {  	_ =	sfence.sel $0xFFFF  }
0xc1: {  	[dreg:$0x0] =	wrdreg $0xFFFFFFFF;
	(pc) =	sbr.abs _section_cstart, $3  }
0xc2: {  	[dreg:$0x1] =	wrdreg $0xFFFFFFFF  }
0xc3: {  	_ =	task.clear_ibuf [dreg:s8], $0x2FFFF;
	_ =	strace $0x9FFFFFFF  }
0xc4: {  	(tm) =	ssettm $0x7FFFFFFF  }
0xc5: {  	_ =	shalt  }
tec
execute0_lowered:
.L_overlay_start_1:
0x0: {  	(tag) =	ssettag $0x1  }
0x1: {  	s4 =	rddreg [dreg:$0x0]  }
0x2: {  	s3 =	rddreg [dreg:$0x1]  }
0x3: {  	s5 =	rddreg [dreg:$0x2]  }
0x4: {  	s2 =	srdreg.scid;
	s0 =	simm.s32 $0x0;
	s26 =	stileid.u32  }
0x5: {  	s6 =	sand.u32 $0x1, s2;
	[smem:$0x7FF] =	sst s0;
	s28 =	sshll.u32 s26, $0xA  }
0x6: {  	s3 =	sadd.s32 $0x800, s3;
	s29 =	sshll.u32 s26, $0xE;
	s7 =	ssub.s32 $0x2, s6  }
0x7: {  	s31 =	sshll.u32 s26, $0x6;
	_ =	strace $0x80000047;
	s8 =	sshrl.u32 s7, $0x1  }
0x8: {  	s9 =	sshll.u32 s6, $0x9;
	s6 =	sshll.u32 s6, $0xD;
	s7 =	ssub.s32 s7, s8  }
0x9: {  	s8 =	sor.u32 s9, s28;
	s9 =	sadd.s32 s29, s5;
	s30 =	smax.u32 s7, $0x1  }
0xa: {  	s8 =	sshrl.u32 s8, $0x3;
	s6 =	sadd.s32 s6, s9;
	[dreg:$0xc] =	wrdreg s30  }
0xb: {  	s7 =	sor.u32 $0x1C01, s31;
	s1 =	sadd.s32 s4, s8;
	[dreg:$0x4] =	wrdreg s6  }
0xc: {  	s8 =	simm.s32 $0x1;
	[dreg:$0xb] =	wrdreg s1;
	s1 =	simm.s32 $0x0  }
.LBB2_1:
0xd: {  	[dreg:$0xd] =	wrdreg s1  }
0xe: {  	s0 =	simm.s32 $0x0;
	s5 =	rddreg [dreg:$0xb];
	s6 =	simm.s32 $0x2  }
0xf: {  	[tilespmem:s0], [sflag:$0x2] =	stream.linear.gather [hbm4b:s5+s0], $0x200, $0x38;
	[tilespmem:$0x200] =	vst v63  }
0x10: {  	_ =	swait.ge [sflag:s6], $0x200  }
0x11: {  	[sflag:s6] =	ssyncset.done $0x0  }
0x12: {  	[sflag:s6] =	ssyncadd.s32 $0xFFFFFE00  }
0x13: {  	v0 =	vld [tilespmem:s0+$0x0];
	_ =	sdelay $0x4  }
0x14: {  	v0 =	vshll.u32 v0, $0x4  }
0x15: {  	(v2sf) =	vpush v0, $0x0  }
0x16: {  	(v2sf) =	vpush v0, $0xF  }
0x17: {  	(v2sf) =	vpush v0, $0x6  }
0x18: {  	(v2sf) =	vpush v0, $0x5  }
0x19: {  	(v2sf) =	vpush v0, $0xE  }
0x1a: {  	(v2sf) =	vpush v0, $0x9  }
0x1b: {  	(v2sf) =	vpush v0, $0xD  }
0x1c: {  	(v2sf) =	vpush v0, $0x3  }
0x1d: {  	(v2sf) =	vpush v0, $0x2  }
0x1e: {  	(v2sf) =	vpush v0, $0xA  }
0x1f: {  	(v2sf) =	vpush v0, $0x7  }
0x20: {  	(v2sf) =	vpush v0, $0xC  }
0x21: {  	(v2sf) =	vpush v0, $0x8  }
0x22: {  	(v2sf) =	vpush v0, $0x4  }
0x23: {  	(v2sf) =	vpush v0, $0x1  }
0x24: {  	s14 =	spop (v2sf);
	(v2sf) =	vpush v0, $0xB  }
0x25: {  	s10 =	spop (v2sf)  }
0x26: {  	s15 =	spop (v2sf)  }
0x27: {  	s16 =	spop (v2sf)  }
0x28: {  	s11 =	spop (v2sf)  }
0x29: {  	s17 =	spop (v2sf)  }
0x2a: {  	s13 =	spop (v2sf)  }
0x2b: {  	s18 =	spop (v2sf)  }
0x2c: {  	s19 =	spop (v2sf)  }
0x2d: {  	s20 =	spop (v2sf)  }
0x2e: {  	s12 =	rddreg [dreg:$0x4];
	s21 =	spop (v2sf)  }
0x2f: {  	s12 =	sadd.s32 $0x0, s12;
	s22 =	spop (v2sf)  }
0x30: {  	s9 =	sadd.s32 $0x10, s12;
	s28 =	sadd.s32 $0x20, s12;
	s23 =	spop (v2sf)  }
0x31: {  	s30 =	sadd.s32 $0x30, s12;
	s0 =	sadd.s32 $0x40, s12;
	s24 =	spop (v2sf)  }
0x32: {  	s2 =	sadd.s32 $0x50, s12;
	s14 =	sand.u32 $0x1FFFFFF0, s14;
	s25 =	spop (v2sf)  }
0x33: {  	s14 =	sadd.s32 s3, s14;
	s25 =	sand.u32 $0x1FFFFFF0, s25;
	s26 =	spop (v2sf)  }
0x34: {  	[hbm:s12], [sflag:s7] =	dma.local [hbm:s14], $0x10  }
0x35: {  	s5 =	sadd.s32 $0x60, s12;
	s10 =	sand.u32 $0x1FFFFFF0, s10;
	s25 =	sadd.s32 s3, s25  }
0x36: {  	[hbm:s9], [sflag:s7] =	dma.local [hbm:s25], $0x10  }
0x37: {  	s4 =	sand.u32 $0x1FFFFFF0, s15;
	s10 =	sadd.s32 s3, s10;
	s25 =	sand.u32 $0x1FFFFFF0, s19  }
0x38: {  	s1 =	sand.u32 $0x1FFFFFF0, s16;
	s29 =	sand.u32 $0x1FFFFFF0, s18;
	s14 =	sadd.s32 s3, s25  }
0x39: {  	[hbm:s28], [sflag:s7] =	dma.local [hbm:s14], $0x10  }
0x3a: {  	s11 =	sand.u32 $0x1FFFFFF0, s11;
	s31 =	sand.u32 $0x1FFFFFF0, s24;
	s14 =	sadd.s32 s3, s29  }
0x3b: {  	[hbm:s30], [sflag:s7] =	dma.local [hbm:s14], $0x10  }
0x3c: {  	s16 =	sadd.s32 $0x80, s12;
	s11 =	sadd.s32 s3, s11;
	s14 =	sadd.s32 s3, s31  }
0x3d: {  	[hbm:s0], [sflag:s7] =	dma.local [hbm:s14], $0x10  }
0x3e: {  	s13 =	sand.u32 $0x1FFFFFF0, s13;
	s18 =	sand.u32 $0x1FFFFFF0, s17;
	s14 =	sadd.s32 s3, s1  }
0x3f: {  	[hbm:s2], [sflag:s7] =	dma.local [hbm:s14], $0x10  }
0x40: {  	s13 =	sadd.s32 s3, s13;
	s6 =	sand.u32 $0x1FFFFFF0, s21;
	s14 =	sadd.s32 s3, s4  }
0x41: {  	[hbm:s5], [sflag:s7] =	dma.local [hbm:s14], $0x10  }
0x42: {  	s15 =	sand.u32 $0x1FFFFFF0, s23;
	s9 =	sadd.s32 $0x70, s12;
	s14 =	sadd.s32 s3, s6  }
0x43: {  	[hbm:s9], [sflag:s7] =	dma.local [hbm:s14], $0x10  }
0x44: {  	s21 =	sand.u32 $0x1FFFFFF0, s20;
	s23 =	sadd.s32 $0xA0, s12;
	s14 =	sadd.s32 s3, s15  }
0x45: {  	[hbm:s16], [sflag:s7] =	dma.local [hbm:s14], $0x10  }
0x46: {  	s24 =	sand.u32 $0x1FFFFFF0, s26;
	s19 =	sadd.s32 $0x90, s12;
	s14 =	sadd.s32 s3, s18  }
0x47: {  	[hbm:s19], [sflag:s7] =	dma.local [hbm:s14], $0x10  }
0x48: {  	s26 =	sand.u32 $0x1FFFFFF0, s22;
	s25 =	sadd.s32 $0xB0, s12;
	s14 =	sadd.s32 s3, s21  }
0x49: {  	[hbm:s23], [sflag:s7] =	dma.local [hbm:s14], $0x10  }
0x4a: {  	s28 =	sadd.s32 $0xC0, s12;
	s29 =	sadd.s32 $0xD0, s12;
	s14 =	sadd.s32 s3, s24  }
0x4b: {  	[hbm:s25], [sflag:s7] =	dma.local [hbm:s14], $0x10  }
0x4c: {  	s30 =	sadd.s32 $0xE0, s12;
	s31 =	sadd.s32 $0xF0, s12;
	s14 =	sadd.s32 s3, s26  }
0x4d: {  	[hbm:s28], [sflag:s7] =	dma.local [hbm:s14], $0x10  }
0x4e: {  	[hbm:s29], [sflag:s7] =	dma.local [hbm:s13], $0x10  }
0x4f: {  	[hbm:s30], [sflag:s7] =	dma.local [hbm:s11], $0x10  }
0x50: {  	[hbm:s31], [sflag:s7] =	dma.local [hbm:s10], $0x10  }
0x51: {  	_ =	swait.ge [sflag:s8], $0x10  }
0x52: {  	[sflag:s8] =	ssyncset.done $0x0  }
0x53: {  	[sflag:s8] =	ssyncadd.s32 $0xFFFFFFF0  }
0x54: {  	_ =	swait.ge [sflag:s8], $0x10  }
0x55: {  	[sflag:s8] =	ssyncset.done $0x0  }
0x56: {  	[sflag:s8] =	ssyncadd.s32 $0xFFFFFFF0  }
0x57: {  	_ =	swait.ge [sflag:s8], $0x10  }
0x58: {  	[sflag:s8] =	ssyncset.done $0x0  }
0x59: {  	[sflag:s8] =	ssyncadd.s32 $0xFFFFFFF0  }
0x5a: {  	_ =	swait.ge [sflag:s8], $0x10  }
0x5b: {  	[sflag:s8] =	ssyncset.done $0x0  }
0x5c: {  	[sflag:s8] =	ssyncadd.s32 $0xFFFFFFF0  }
0x5d: {  	_ =	swait.ge [sflag:s8], $0x10  }
0x5e: {  	[sflag:s8] =	ssyncset.done $0x0  }
0x5f: {  	[sflag:s8] =	ssyncadd.s32 $0xFFFFFFF0  }
0x60: {  	_ =	swait.ge [sflag:s8], $0x10  }
0x61: {  	s18 =	simm.s32 $0x0;
	s10 =	simm.s32 $0x100;
	[sflag:s8] =	ssyncset.done $0x0  }
.LBB2_2:
0x62: {  	[sflag:s8] =	ssyncadd.s32 $0xFFFFFFF0  }
0x63: {  	_ =	swait.ge [sflag:s8], $0x10  }
0x64: {  	[sflag:s8] =	ssyncset.done $0x0  }
0x65: {  	[sflag:s8] =	ssyncadd.s32 $0xFFFFFFF0  }
0x66: {  	_ =	swait.ge [sflag:s8], $0x10  }
0x67: {  	[sflag:s8] =	ssyncset.done $0x0  }
0x68: {  	[sflag:s8] =	ssyncadd.s32 $0xFFFFFFF0  }
0x69: {  	_ =	swait.ge [sflag:s8], $0x10  }
0x6a: {  	[sflag:s8] =	ssyncset.done $0x0  }
0x6b: {  	[sflag:s8] =	ssyncadd.s32 $0xFFFFFFF0  }
0x6c: {  	_ =	swait.ge [sflag:s8], $0x10  }
0x6d: {  	[sflag:s8] =	ssyncset.done $0x0  }
0x6e: {  	[sflag:s8] =	ssyncadd.s32 $0xFFFFFFF0  }
0x6f: {  	_ =	swait.ge [sflag:s8], $0x10  }
0x70: {  	[sflag:s8] =	ssyncset.done $0x0  }
0x71: {  	[sflag:s8] =	ssyncadd.s32 $0xFFFFFFF0  }
0x72: {  	_ =	swait.ge [sflag:s8], $0x10  }
0x73: {  	[sflag:s8] =	ssyncset.done $0x0  }
0x74: {  	[sflag:s8] =	ssyncadd.s32 $0xFFFFFFF0  }
0x75: {  	_ =	swait.ge [sflag:s8], $0x10  }
0x76: {  	[sflag:s8] =	ssyncset.done $0x0  }
0x77: {  	[sflag:s8] =	ssyncadd.s32 $0xFFFFFFF0  }
0x78: {  	_ =	swait.ge [sflag:s8], $0x10  }
0x79: {  	[sflag:s8] =	ssyncset.done $0x0  }
0x7a: {  	[sflag:s8] =	ssyncadd.s32 $0xFFFFFFF0  }
0x7b: {  	_ =	swait.ge [sflag:s8], $0x10  }
0x7c: {  	[sflag:s8] =	ssyncset.done $0x0  }
0x7d: {  	[sflag:s8] =	ssyncadd.s32 $0xFFFFFFF0  }
0x7e: {  	_ =	swait.ge [sflag:s8], $0x10  }
0x7f: {  	[sflag:s8] =	ssyncset.done $0x0  }
0x80: {  	s18 =	sadd.s32 $0x10, s18;
	[sflag:s8] =	ssyncadd.s32 $0xFFFFFFF0  }
0x81: {  	v0 =	vld [tilespmem:s18+$0x0];
	_ =	sdelay $0x4  }
0x82: {  	v0 =	vshll.u32 v0, $0x4  }
0x83: {  	(v2sf) =	vpush v0, $0x0  }
0x84: {  	(v2sf) =	vpush v0, $0xF  }
0x85: {  	(v2sf) =	vpush v0, $0x6  }
0x86: {  	(v2sf) =	vpush v0, $0x5  }
0x87: {  	(v2sf) =	vpush v0, $0xE  }
0x88: {  	(v2sf) =	vpush v0, $0x9  }
0x89: {  	(v2sf) =	vpush v0, $0xD  }
0x8a: {  	(v2sf) =	vpush v0, $0x3  }
0x8b: {  	(v2sf) =	vpush v0, $0x2  }
0x8c: {  	(v2sf) =	vpush v0, $0xA  }
0x8d: {  	s12 =	smov.u32 s10;
	s13 =	rddreg [dreg:$0x4];
	(v2sf) =	vpush v0, $0x7  }
0x8e: {  	s21 =	sadd.s32 s12, s13;
	(v2sf) =	vpush v0, $0xC  }
0x8f: {  	s0 =	sadd.s32 $0x70, s21;
	s6 =	sadd.s32 $0x80, s21;
	s19 =	sadd.s32 $0x40, s21;
	(v2sf) =	vpush v0, $0x8  }
0x90: {  	s9 =	sadd.s32 $0xA0, s21;
	s11 =	sadd.s32 $0xF0, s21;
	s12 =	sadd.s32 $0xD0, s21;
	(v2sf) =	vpush v0, $0x4  }
0x91: {  	s13 =	sadd.s32 $0xE0, s21;
	s20 =	sadd.s32 $0xB0, s21;
	[dreg:$0x7] =	wrdreg s0;
	(v2sf) =	vpush v0, $0x1  }
0x92: {  	s24 =	sadd.s32 $0x10, s21;
	[dreg:$0x6] =	wrdreg s6;
	s29 =	spop (v2sf)  }
0x93: {  	s25 =	sadd.s32 $0x30, s21;
	[dreg:$0xa] =	wrdreg s9;
	(v2sf) =	vpush v0, $0xB;
	s22 =	spop (v2sf)  }
0x94: {  	s28 =	sadd.s32 $0x60, s21;
	[dreg:$0x5] =	wrdreg s11;
	s23 =	spop (v2sf)  }
0x95: {  	s4 =	sadd.s32 $0x50, s21;
	[dreg:$0x9] =	wrdreg s12;
	s14 =	spop (v2sf)  }
0x96: {  	[dreg:$0x8] =	wrdreg s13;
	s13 =	sadd.s32 $0xC0, s21;
	s15 =	spop (v2sf)  }
0x97: {  	s6 =	sadd.s32 $0x20, s21;
	s12 =	sadd.s32 $0x90, s21;
	s16 =	spop (v2sf)  }
0x98: {  	s29 =	sand.u32 $0x1FFFFFF0, s29;
	s30 =	sand.u32 $0x1FFFFFF0, s22;
	s2 =	spop (v2sf)  }
0x99: {  	s29 =	sadd.s32 s3, s29;
	s26 =	sand.u32 $0x1FFFFFF0, s23;
	s1 =	spop (v2sf)  }
0x9a: {  	s31 =	sand.u32 $0x1FFFFFF0, s14;
	s26 =	sadd.s32 s3, s26;
	s5 =	spop (v2sf)  }
0x9b: {  	s22 =	sand.u32 $0x1FFFFFF0, s15;
	s23 =	sand.u32 $0x1FFFFFF0, s16;
	s9 =	spop (v2sf)  }
0x9c: {  	s31 =	sadd.s32 s3, s31;
	s23 =	sadd.s32 s3, s23;
	s17 =	spop (v2sf)  }
0x9d: {  	s2 =	sand.u32 $0x1FFFFFF0, s2;
	s1 =	sand.u32 $0x1FFFFFF0, s1;
	s11 =	spop (v2sf)  }
0x9e: {  	s5 =	sand.u32 $0x1FFFFFF0, s5;
	s1 =	sadd.s32 s3, s1;
	s14 =	spop (v2sf)  }
0x9f: {  	s9 =	sand.u32 $0x1FFFFFF0, s9;
	s5 =	sadd.s32 s3, s5;
	s15 =	spop (v2sf)  }
0xa0: {  	s0 =	sand.u32 $0x1FFFFFF0, s17;
	s9 =	sadd.s32 s3, s9;
	s16 =	spop (v2sf)  }
0xa1: {  	s11 =	sand.u32 $0x1FFFFFF0, s11;
	s15 =	sand.u32 $0x1FFFFFF0, s15;
	s16 =	sand.u32 $0x1FFFFFF0, s16  }
0xa2: {  	s17 =	spop (v2sf);
	s15 =	sadd.s32 s3, s15;
	s16 =	sadd.s32 s3, s16  }
0xa3: {  	[hbm:s21], [sflag:s7] =	dma.local [hbm:s29], $0x10  }
0xa4: {  	[hbm:s24], [sflag:s7] =	dma.local [hbm:s16], $0x10  }
0xa5: {  	[hbm:s6], [sflag:s7] =	dma.local [hbm:s5], $0x10  }
0xa6: {  	[hbm:s25], [sflag:s7] =	dma.local [hbm:s1], $0x10  }
0xa7: {  	[hbm:s19], [sflag:s7] =	dma.local [hbm:s15], $0x10  }
0xa8: {  	[hbm:s4], [sflag:s7] =	dma.local [hbm:s31], $0x10  }
0xa9: {  	[hbm:s28], [sflag:s7] =	dma.local [hbm:s26], $0x10  }
0xaa: {  	s0 =	sadd.s32 s3, s0;
	s14 =	sand.u32 $0x1FFFFFF0, s14;
	s28 =	rddreg [dreg:$0x7]  }
0xab: {  	[hbm:s28], [sflag:s7] =	dma.local [hbm:s0], $0x10  }
0xac: {  	s14 =	sadd.s32 s3, s14;
	s17 =	sand.u32 $0x1FFFFFF0, s17;
	s0 =	rddreg [dreg:$0x6]  }
0xad: {  	[hbm:s0], [sflag:s7] =	dma.local [hbm:s14], $0x10  }
0xae: {  	[hbm:s12], [sflag:s7] =	dma.local [hbm:s23], $0x10  }
0xaf: {  	s11 =	sadd.s32 s3, s11;
	s17 =	sadd.s32 s3, s17;
	s29 =	rddreg [dreg:$0xa]  }
0xb0: {  	[hbm:s29], [sflag:s7] =	dma.local [hbm:s9], $0x10  }
0xb1: {  	[hbm:s20], [sflag:s7] =	dma.local [hbm:s17], $0x10  }
0xb2: {  	[hbm:s13], [sflag:s7] =	dma.local [hbm:s11], $0x10  }
0xb3: {  	s2 =	sadd.s32 s3, s2;
	s31 =	rddreg [dreg:$0x9]  }
0xb4: {  	[hbm:s31], [sflag:s7] =	dma.local [hbm:s2], $0x10  }
0xb5: {  	s22 =	sadd.s32 s3, s22;
	s0 =	rddreg [dreg:$0x8]  }
0xb6: {  	[hbm:s0], [sflag:s7] =	dma.local [hbm:s22], $0x10  }
0xb7: {  	s30 =	sadd.s32 s3, s30;
	s0 =	rddreg [dreg:$0x5]  }
0xb8: {  	[hbm:s0], [sflag:s7] =	dma.local [hbm:s30], $0x10  }
0xb9: {  	_ =	swait.ge [sflag:s8], $0x10  }
0xba: {  	[sflag:s8] =	ssyncset.done $0x0  }
0xbb: {  	[sflag:s8] =	ssyncadd.s32 $0xFFFFFFF0  }
0xbc: {  	_ =	swait.ge [sflag:s8], $0x10  }
0xbd: {  	[sflag:s8] =	ssyncset.done $0x0  }
0xbe: {  	[sflag:s8] =	ssyncadd.s32 $0xFFFFFFF0  }
0xbf: {  	_ =	swait.ge [sflag:s8], $0x10  }
0xc0: {  	[sflag:s8] =	ssyncset.done $0x0  }
0xc1: {  	[sflag:s8] =	ssyncadd.s32 $0xFFFFFFF0  }
0xc2: {  	_ =	swait.ge [sflag:s8], $0x10  }
0xc3: {  	[sflag:s8] =	ssyncset.done $0x0  }
0xc4: {  	p0 =	sne.s32 s10, $0x1F00;
	[sflag:s8] =	ssyncadd.s32 $0xFFFFFFF0  }
.Ltmp0:
0xc5: {  	_ =	swait.ge [sflag:s8], $0x10;
	(pc) =	sbr.rel @p0 .LBB2_2-.Ltmp0, $4  }
0xc6: {  	[sflag:s8] =	ssyncset.done $0x0  }
0xc7: {  	[sflag:s8] =	ssyncadd.s32 $0xFFFFFFF0  }
0xc8: {  	_ =	swait.ge [sflag:s8], $0x10  }
0xc9: {  	s10 =	sadd.s32 $0x100, s10;
	[sflag:s8] =	ssyncset.done $0x0  }
0xca: {  	[sflag:s8] =	ssyncadd.s32 $0xFFFFFFF0  }
0xcb: {  	_ =	swait.ge [sflag:s8], $0x10  }
0xcc: {  	[sflag:s8] =	ssyncset.done $0x0  }
0xcd: {  	[sflag:s8] =	ssyncadd.s32 $0xFFFFFFF0  }
0xce: {  	_ =	swait.ge [sflag:s8], $0x10  }
0xcf: {  	[sflag:s8] =	ssyncset.done $0x0  }
0xd0: {  	[sflag:s8] =	ssyncadd.s32 $0xFFFFFFF0  }
0xd1: {  	_ =	swait.ge [sflag:s8], $0x10  }
0xd2: {  	[sflag:s8] =	ssyncset.done $0x0  }
0xd3: {  	[sflag:s8] =	ssyncadd.s32 $0xFFFFFFF0  }
0xd4: {  	_ =	swait.ge [sflag:s8], $0x10  }
0xd5: {  	[sflag:s8] =	ssyncset.done $0x0  }
0xd6: {  	[sflag:s8] =	ssyncadd.s32 $0xFFFFFFF0  }
0xd7: {  	_ =	swait.ge [sflag:s8], $0x10  }
0xd8: {  	[sflag:s8] =	ssyncset.done $0x0  }
0xd9: {  	[sflag:s8] =	ssyncadd.s32 $0xFFFFFFF0  }
0xda: {  	_ =	swait.ge [sflag:s8], $0x10  }
0xdb: {  	[sflag:s8] =	ssyncset.done $0x0  }
0xdc: {  	[sflag:s8] =	ssyncadd.s32 $0xFFFFFFF0  }
0xdd: {  	_ =	swait.ge [sflag:s8], $0x10  }
0xde: {  	[sflag:s8] =	ssyncset.done $0x0  }
0xdf: {  	[sflag:s8] =	ssyncadd.s32 $0xFFFFFFF0  }
0xe0: {  	_ =	swait.ge [sflag:s8], $0x10  }
0xe1: {  	[sflag:s8] =	ssyncset.done $0x0  }
0xe2: {  	[sflag:s8] =	ssyncadd.s32 $0xFFFFFFF0  }
0xe3: {  	_ =	swait.ge [sflag:s8], $0x10  }
0xe4: {  	[sflag:s8] =	ssyncset.done $0x0  }
0xe5: {  	[sflag:s8] =	ssyncadd.s32 $0xFFFFFFF0  }
0xe6: {  	_ =	swait.ge [sflag:s8], $0x10  }
0xe7: {  	s1 =	rddreg [dreg:$0xd]  }
0xe8: {  	s0 =	rddreg [dreg:$0xc];
	s1 =	sadd.s32 $0x1, s1  }
0xe9: {  	p0 =	sne.s32 s1, s0  }
.Ltmp1:
0xea: {  	_ = 	snop;
	(pc) =	sbr.rel @p0 .LBB2_1-.Ltmp1, $3  }
0xeb: {  	_ =	sdelay $0x1  }
0xec: {  	[sflag:s8] =	ssyncset.done $0x0  }
0xed: {  	[sflag:s8] =	ssyncadd.s32 $0xFFFFFFF0  }
0xee: {  	_ =	sfence.sel $0x180000  }
0xef: {  	[bflag:$0x0] =	sbarrier.arrive $0xFFFF  }
0xf0: {  	_ =	strace $0x90000047  }
0xf1: {  	s0 =	stileid.u32;
	[bflag:$0x2] =	sbarrier.arrive $0xFFFF  }
0xf2: {  	p0 =	sne.s32 s0, $0x0;
	s0 =	rddreg [dreg:$0x3]  }
0xf3: {  	s0 =	sadd.s32 @!p0 $0x100000, s0  }
0xf4: {  	[sflag:s0] =	ssyncadd.tile.s32 @!p0 $0x1;
	_ =	shalt  }
.Lfunc_end2:
_tile_overlayer_lowered:
.L_overlay_start_2:
0xf5: {  	(tag) =	ssettag $0x2  }
0xf6: {  	s0 =	rddreg [dreg:$0x0];
	s2 =	stileid.u32  }
0xf7: {  	s1 =	rddreg [dreg:$0x1];
	p0 =	sne.s32 s2, $0x0  }
0xf8: {  	s3 =	rddreg [dreg:$0x2];
	[bflag:$0x3] =	sbarrier.arrive $0xFFFF;
	s2 =	simm.s32 @!p0 $0x1C02  }
0xf9: {  	[timem:s3], [sflag:s2] =	dma.local @!p0 [hbm:s0], s1  }
0xfa: {  	s0 =	simm.s32 @!p0 $0x2  }
0xfb: {  	_ =	swait.ge @!p0 [sflag:s0], s1  }
0xfc: {  	s1 =	ssub.s32 @!p0 $0x0, s1;
	[sflag:s0] =	ssyncset.done @!p0 $0x0  }
0xfd: {  	[sflag:s0] =	ssyncadd.s32 @!p0 s1  }
0xfe: {  	[bflag:$0x3] =	sbarrier.arrive $0xFFFF  }
0xff: {  	_ =	shalt  }

</sc_bundles>
